<compile_context>
chip_gen: v7x
topology: tpu7x:2x2x1
jax: 0.10.2.dev20260603
libtpu: 0.0.44.dev20260713+nightly
codegen_flags: <defaults>
</compile_context>

<pallas_src>
import functools

import jax
import jax.numpy as jnp
from jax import lax
from jax.experimental import pallas as pl
from jax.experimental.pallas import tpu as pltpu
from jax.experimental.pallas import tpu_sc as plsc

NC = 2
NS = 16
L = 16
NW = NC * NS

BATCH = 32
N = 1048576
STRIPE = N // NW


def _sc_body(x_hbm, b_hbm, s_hbm, out_hbm, bv, sv, xv):
    wid = lax.axis_index("s") * NC + lax.axis_index("c")
    base = wid * STRIPE

    pltpu.sync_copy(b_hbm.at[pl.ds(base, STRIPE)], bv)
    pltpu.sync_copy(s_hbm.at[pl.ds(base, STRIPE)], sv)

    def mul_body(i, carry):
        sl = pl.ds(i * L, L)
        bv[sl] = bv[sl] * sv[sl]
        return carry

    lax.fori_loop(0, STRIPE // L, mul_body, 0)

    def row_body(r, carry):
        pltpu.sync_copy(x_hbm.at[r, pl.ds(base, STRIPE)], xv)

        def add_body(i, c):
            sl = pl.ds(i * L, L)
            xv[sl] = xv[sl] + bv[sl]
            return c

        lax.fori_loop(0, STRIPE // L, add_body, 0)
        pltpu.sync_copy(xv, out_hbm.at[r, pl.ds(base, STRIPE)])
        return carry

    lax.fori_loop(0, BATCH, row_body, 0)


def kernel(X, bias, se, out_idxs):
    del out_idxs
    mesh = plsc.VectorSubcoreMesh(core_axis_name="c", subcore_axis_name="s")
    k = functools.partial(
        pl.kernel,
        mesh=mesh,
        out_type=jax.ShapeDtypeStruct((BATCH, N), jnp.float32),
        scratch_types=[
            pltpu.VMEM((STRIPE,), jnp.float32),
            pltpu.VMEM((STRIPE,), jnp.float32),
            pltpu.VMEM((STRIPE,), jnp.float32),
        ],
    )(_sc_body)
    return k(X, bias, se)

# --- scband reference (transcript-rebuilt; emitter-appended) ---
"""Pipeline reference for scband-freeze-bias-features-69535520522906 (READ-ONLY COPY).

The authoritative reference and input builder live on the scoring server;
editing this copy changes nothing except your own understanding.
"""

import jax, jax.numpy as jnp
import numpy as np

LEN = 1048576
BATCH = 32

def setup_inputs(seed: int = 0) -> dict:
    key = jax.random.key(seed)
    k1, k2, k3 = jax.random.split(key, 3)
    X = jax.random.normal(k1, (BATCH, LEN), dtype=jnp.float32)
    # learned parameters (module state after __init__ + set_out_idxs([])):
    # out_idxs = all indices (set(range(len)) - set([]) iterates ascending),
    # bias = bias[out_idxs], se = se[out_idxs] -> both length LEN.
    bias = jax.random.normal(k2, (LEN,), dtype=jnp.float32) * 0.02
    se = jax.random.normal(k3, (LEN,), dtype=jnp.float32) * 0.02
    out_idxs = jnp.arange(LEN, dtype=jnp.int32)
    return {"X": X, "bias": bias, "se": se, "out_idxs": out_idxs}

def reference(X, bias, se, out_idxs):
    # res = X.clone(); if len(out_idxs)==self.len: res += bias*se
    # else: res[out_idxs] += bias*se
    upd = bias * se
    if out_idxs.shape[0] == LEN:
        res = X + upd  # broadcasts over batch dim, matching torch semantics
    else:
        res = X.at[out_idxs].add(upd)
    return res

if __name__ == "__main__":
    import jax
    _d = setup_inputs()
    print(jax.jit(kernel)(*tuple(_d.values())))

</pallas_src>

<mosaic_0001>
#map = affine_map<(d0, d1) -> (0, 0)>
#map1 = affine_map<(d0, d1) -> (0)>
module attributes {stable_mosaic.version = 14 : i64} {
  func.func @_sc_body(%arg0: i32, %arg1: i32, %arg2: memref<32x1048576xf32, #tpu.memory_space<hbm>>, %arg3: memref<1048576xf32, #tpu.memory_space<hbm>>, %arg4: memref<1048576xf32, #tpu.memory_space<hbm>>, %arg5: memref<32x1048576xf32, #tpu.memory_space<hbm>>, %arg6: memref<32768xf32, #tpu.memory_space<vmem>>, %arg7: memref<32768xf32, #tpu.memory_space<vmem>>, %arg8: memref<32768xf32, #tpu.memory_space<vmem>>) attributes {dimension_semantics = [#tpu.dimension_semantics<core_parallel>, #tpu.dimension_semantics<subcore_parallel>], iteration_bounds = array<i64: 2, 16>, scalar_prefetch = 0 : i64, scratch_operands = 3 : i64, tpu.core_type = #tpu.core_type<sc_vector_subcore>, window_params = [{transform_indices = #map}, {transform_indices = #map1}, {transform_indices = #map1}, {transform_indices = #map}]} {
    %mul3A = arith.constant 2 : i32
    %mul3A_0 = arith.muli %arg1, %mul3A : i32
    %add3A = arith.addi %mul3A_0, %arg0 : i32
    %mul3A_1 = arith.constant 32768 : i32
    %mul3A_2 = arith.muli %add3A, %mul3A_1 : i32
    "tpu.region"() ({
      %run_scoped3A = tpu.sem_alloc : memref<!tpu.dma_semaphore, #tpu.memory_space<semaphore_mem>>
      %dma_start3A = tpu.memref_slice %arg3[%mul3A_2] : memref<1048576xf32, #tpu.memory_space<hbm>> -> memref<32768xf32, #tpu.memory_space<hbm>>
      %dma_start3A_14 = tpu.memref_slice %arg3[%mul3A_2] : memref<1048576xf32, #tpu.memory_space<hbm>> -> memref<32768xf32, #tpu.memory_space<hbm>>
      tpu.enqueue_dma source(%dma_start3A_14 : memref<32768xf32, #tpu.memory_space<hbm>>) target(%arg6 : memref<32768xf32, #tpu.memory_space<vmem>>) target_semaphore(%run_scoped3A : memref<!tpu.dma_semaphore, #tpu.memory_space<semaphore_mem>>)
      %dma_wait3A = tpu.memref_slice %arg3[%mul3A_2] : memref<1048576xf32, #tpu.memory_space<hbm>> -> memref<32768xf32, #tpu.memory_space<hbm>>
      %dma_wait3A_15 = tpu.memref_slice %arg3[%mul3A_2] : memref<1048576xf32, #tpu.memory_space<hbm>> -> memref<32768xf32, #tpu.memory_space<hbm>>
      tpu.wait_dma2 semaphore(%run_scoped3A : memref<!tpu.dma_semaphore, #tpu.memory_space<semaphore_mem>>) src(%dma_wait3A_15 : memref<32768xf32, #tpu.memory_space<hbm>>) dst(%arg6 : memref<32768xf32, #tpu.memory_space<vmem>>)
      tpu.yield
    }) : () -> ()
    "tpu.region"() ({
      %run_scoped3A = tpu.sem_alloc : memref<!tpu.dma_semaphore, #tpu.memory_space<semaphore_mem>>
      %dma_start3A = tpu.memref_slice %arg4[%mul3A_2] : memref<1048576xf32, #tpu.memory_space<hbm>> -> memref<32768xf32, #tpu.memory_space<hbm>>
      %dma_start3A_14 = tpu.memref_slice %arg4[%mul3A_2] : memref<1048576xf32, #tpu.memory_space<hbm>> -> memref<32768xf32, #tpu.memory_space<hbm>>
      tpu.enqueue_dma source(%dma_start3A_14 : memref<32768xf32, #tpu.memory_space<hbm>>) target(%arg7 : memref<32768xf32, #tpu.memory_space<vmem>>) target_semaphore(%run_scoped3A : memref<!tpu.dma_semaphore, #tpu.memory_space<semaphore_mem>>)
      %dma_wait3A = tpu.memref_slice %arg4[%mul3A_2] : memref<1048576xf32, #tpu.memory_space<hbm>> -> memref<32768xf32, #tpu.memory_space<hbm>>
      %dma_wait3A_15 = tpu.memref_slice %arg4[%mul3A_2] : memref<1048576xf32, #tpu.memory_space<hbm>> -> memref<32768xf32, #tpu.memory_space<hbm>>
      tpu.wait_dma2 semaphore(%run_scoped3A : memref<!tpu.dma_semaphore, #tpu.memory_space<semaphore_mem>>) src(%dma_wait3A_15 : memref<32768xf32, #tpu.memory_space<hbm>>) dst(%arg7 : memref<32768xf32, #tpu.memory_space<vmem>>)
      tpu.yield
    }) : () -> ()
    %scan3A = arith.constant 0 : i32
    %scan3A_3 = arith.constant 0 : i32
    %scan3A_4 = arith.constant 2048 : i32
    %scan3A_5 = arith.addi %scan3A_3, %scan3A_4 : i32
    %scan3A_6 = arith.constant 1 : i32
    scf.for %scan3A_14 = %scan3A_3 to %scan3A_5 step %scan3A_6  : i32 {
      %mul3A_15 = arith.constant 16 : i32
      %mul3A_16 = arith.muli %scan3A_14, %mul3A_15 : i32
      %get3A = arith.index_cast %mul3A_16 : i32 to index
      %get3A_17 = tpu.vector_load %arg6[%get3A] {strides = array<i32>} : memref<32768xf32, #tpu.memory_space<vmem>>, vector<16xf32>,
      %get3A_18 = vector.shape_cast %get3A_17 : vector<16xf32> to vector<16xf32>
      %get3A_19 = arith.index_cast %mul3A_16 : i32 to index
      %get3A_20 = tpu.vector_load %arg7[%get3A_19] {strides = array<i32>} : memref<32768xf32, #tpu.memory_space<vmem>>, vector<16xf32>,
      %get3A_21 = vector.shape_cast %get3A_20 : vector<16xf32> to vector<16xf32>
      %mul3A_22 = arith.mulf %get3A_18, %get3A_21 : vector<16xf32>
      %swap3A = arith.index_cast %mul3A_16 : i32 to index
      %swap3A_23 = tpu.vector_load %arg6[%swap3A] {strides = array<i32>} : memref<32768xf32, #tpu.memory_space<vmem>>, vector<16xf32>,
      %swap3A_24 = vector.shape_cast %swap3A_23 : vector<16xf32> to vector<16xf32>
      %swap3A_25 = vector.shape_cast %mul3A_22 : vector<16xf32> to vector<16xf32>
      tpu.vector_store %arg6[%swap3A], %swap3A_25 {strides = array<i32>} : memref<32768xf32, #tpu.memory_space<vmem>>, vector<16xf32>,
    }
    %scan3A_7 = arith.constant 2048 : i32
    %scan3A_8 = arith.constant 0 : i32
    %scan3A_9 = arith.constant 0 : i32
    %scan3A_10 = arith.constant 32 : i32
    %scan3A_11 = arith.addi %scan3A_9, %scan3A_10 : i32
    %scan3A_12 = arith.constant 1 : i32
    scf.for %scan3A_14 = %scan3A_9 to %scan3A_11 step %scan3A_12  : i32 {
      "tpu.region"() ({
        %run_scoped3A = tpu.sem_alloc : memref<!tpu.dma_semaphore, #tpu.memory_space<semaphore_mem>>
        %dma_start3A = tpu.memref_slice %arg2[%scan3A_14, %mul3A_2] : memref<32x1048576xf32, #tpu.memory_space<hbm>> -> memref<1x32768xf32, #tpu.memory_space<hbm>>
        %dma_start3A_21 = tpu.memref_squeeze %dma_start3A : memref<1x32768xf32, #tpu.memory_space<hbm>> -> memref<32768xf32, #tpu.memory_space<hbm>>
        %dma_start3A_22 = tpu.memref_slice %arg2[%scan3A_14, %mul3A_2] : memref<32x1048576xf32, #tpu.memory_space<hbm>> -> memref<1x32768xf32, #tpu.memory_space<hbm>>
        %dma_start3A_23 = tpu.memref_squeeze %dma_start3A_22 : memref<1x32768xf32, #tpu.memory_space<hbm>> -> memref<32768xf32, #tpu.memory_space<hbm>>
        tpu.enqueue_dma source(%dma_start3A_23 : memref<32768xf32, #tpu.memory_space<hbm>>) target(%arg8 : memref<32768xf32, #tpu.memory_space<vmem>>) target_semaphore(%run_scoped3A : memref<!tpu.dma_semaphore, #tpu.memory_space<semaphore_mem>>)
        %dma_wait3A = tpu.memref_slice %arg2[%scan3A_14, %mul3A_2] : memref<32x1048576xf32, #tpu.memory_space<hbm>> -> memref<1x32768xf32, #tpu.memory_space<hbm>>
        %dma_wait3A_24 = tpu.memref_squeeze %dma_wait3A : memref<1x32768xf32, #tpu.memory_space<hbm>> -> memref<32768xf32, #tpu.memory_space<hbm>>
        %dma_wait3A_25 = tpu.memref_slice %arg2[%scan3A_14, %mul3A_2] : memref<32x1048576xf32, #tpu.memory_space<hbm>> -> memref<1x32768xf32, #tpu.memory_space<hbm>>
        %dma_wait3A_26 = tpu.memref_squeeze %dma_wait3A_25 : memref<1x32768xf32, #tpu.memory_space<hbm>> -> memref<32768xf32, #tpu.memory_space<hbm>>
        tpu.wait_dma2 semaphore(%run_scoped3A : memref<!tpu.dma_semaphore, #tpu.memory_space<semaphore_mem>>) src(%dma_wait3A_26 : memref<32768xf32, #tpu.memory_space<hbm>>) dst(%arg8 : memref<32768xf32, #tpu.memory_space<vmem>>)
        tpu.yield
      }) : () -> ()
      %scan3A_15 = arith.constant 0 : i32
      %scan3A_16 = arith.constant 0 : i32
      %scan3A_17 = arith.constant 2048 : i32
      %scan3A_18 = arith.addi %scan3A_16, %scan3A_17 : i32
      %scan3A_19 = arith.constant 1 : i32
      scf.for %scan3A_21 = %scan3A_16 to %scan3A_18 step %scan3A_19  : i32 {
        %mul3A_22 = arith.constant 16 : i32
        %mul3A_23 = arith.muli %scan3A_21, %mul3A_22 : i32
        %get3A = arith.index_cast %mul3A_23 : i32 to index
        %get3A_24 = tpu.vector_load %arg8[%get3A] {strides = array<i32>} : memref<32768xf32, #tpu.memory_space<vmem>>, vector<16xf32>,
        %get3A_25 = vector.shape_cast %get3A_24 : vector<16xf32> to vector<16xf32>
        %get3A_26 = arith.index_cast %mul3A_23 : i32 to index
        %get3A_27 = tpu.vector_load %arg6[%get3A_26] {strides = array<i32>} : memref<32768xf32, #tpu.memory_space<vmem>>, vector<16xf32>,
        %get3A_28 = vector.shape_cast %get3A_27 : vector<16xf32> to vector<16xf32>
        %add3A_29 = arith.addf %get3A_25, %get3A_28 : vector<16xf32>
        %swap3A = arith.index_cast %mul3A_23 : i32 to index
        %swap3A_30 = tpu.vector_load %arg8[%swap3A] {strides = array<i32>} : memref<32768xf32, #tpu.memory_space<vmem>>, vector<16xf32>,
        %swap3A_31 = vector.shape_cast %swap3A_30 : vector<16xf32> to vector<16xf32>
        %swap3A_32 = vector.shape_cast %add3A_29 : vector<16xf32> to vector<16xf32>
        tpu.vector_store %arg8[%swap3A], %swap3A_32 {strides = array<i32>} : memref<32768xf32, #tpu.memory_space<vmem>>, vector<16xf32>,
      }
      %scan3A_20 = arith.constant 2048 : i32
      "tpu.region"() ({
        %run_scoped3A = tpu.sem_alloc : memref<!tpu.dma_semaphore, #tpu.memory_space<semaphore_mem>>
        %dma_start3A = tpu.memref_slice %arg5[%scan3A_14, %mul3A_2] : memref<32x1048576xf32, #tpu.memory_space<hbm>> -> memref<1x32768xf32, #tpu.memory_space<hbm>>
        %dma_start3A_21 = tpu.memref_squeeze %dma_start3A : memref<1x32768xf32, #tpu.memory_space<hbm>> -> memref<32768xf32, #tpu.memory_space<hbm>>
        %dma_start3A_22 = tpu.memref_slice %arg5[%scan3A_14, %mul3A_2] : memref<32x1048576xf32, #tpu.memory_space<hbm>> -> memref<1x32768xf32, #tpu.memory_space<hbm>>
        %dma_start3A_23 = tpu.memref_squeeze %dma_start3A_22 : memref<1x32768xf32, #tpu.memory_space<hbm>> -> memref<32768xf32, #tpu.memory_space<hbm>>
        tpu.enqueue_dma source(%arg8 : memref<32768xf32, #tpu.memory_space<vmem>>) target(%dma_start3A_23 : memref<32768xf32, #tpu.memory_space<hbm>>) target_semaphore(%run_scoped3A : memref<!tpu.dma_semaphore, #tpu.memory_space<semaphore_mem>>)
        %dma_wait3A = tpu.memref_slice %arg5[%scan3A_14, %mul3A_2] : memref<32x1048576xf32, #tpu.memory_space<hbm>> -> memref<1x32768xf32, #tpu.memory_space<hbm>>
        %dma_wait3A_24 = tpu.memref_squeeze %dma_wait3A : memref<1x32768xf32, #tpu.memory_space<hbm>> -> memref<32768xf32, #tpu.memory_space<hbm>>
        %dma_wait3A_25 = tpu.memref_slice %arg5[%scan3A_14, %mul3A_2] : memref<32x1048576xf32, #tpu.memory_space<hbm>> -> memref<1x32768xf32, #tpu.memory_space<hbm>>
        %dma_wait3A_26 = tpu.memref_squeeze %dma_wait3A_25 : memref<1x32768xf32, #tpu.memory_space<hbm>> -> memref<32768xf32, #tpu.memory_space<hbm>>
        tpu.wait_dma2 semaphore(%run_scoped3A : memref<!tpu.dma_semaphore, #tpu.memory_space<semaphore_mem>>) src(%arg8 : memref<32768xf32, #tpu.memory_space<vmem>>) dst(%dma_wait3A_26 : memref<32768xf32, #tpu.memory_space<hbm>>)
        tpu.yield
      }) : () -> ()
    }
    %scan3A_13 = arith.constant 32 : i32
    return
  }
}

</mosaic_0001>

<sc_bundles>
// kernel: kernel.3.cloned.1.call-start
scs
__scs_entry_jumppad:
0x0: {  	(pc) =	sbr.rel $0x88, $3  }
0x1: {  	(tag) =	ssettag $0x0;
	lr =	simm.s32 $0x1  }
0x2: {  	[smem:$0x3F9E] =	sst lr;
	_ =	strace $0xD0000000  }
0x3: {  	_ = 	snop  }
0x4: {  	_ = 	snop  }
0x5: {  	_ = 	snop  }
0x6: {  	_ = 	snop  }
0x7: {  	_ = 	snop  }
__scs_overlays_trampoline_lowered:
0x8: {  	[smem:$0x3FAD] =	sst s0  }
0x9: {  	[smem:$0x3FAE] =	sst s1  }
0xa: {  	[smem:$0x3FAF] =	sst s2  }
0xb: {  	[smem:$0x3FB0] =	sst s3  }
0xc: {  	[smem:$0x3FB1] =	sst s4  }
0xd: {  	[smem:$0x3FB2] =	sst s5  }
0xe: {  	[smem:$0x3FB3] =	sst s6  }
0xf: {  	[smem:$0x3FB4] =	sst s7  }
0x10: {  	[smem:$0x3FB5] =	sst s8  }
0x11: {  	[smem:$0x3FB6] =	sst s9;
	s0 =	simm.s32 @!p0 $0x0  }
0x12: {  	s1 =	sld [smem:$0x3F9C];
	s0 =	simm.s32 @p0 $0x1  }
0x13: {  	[smem:$0x3FB7] =	sst s0;
	s0 =	simm.s32 @!p1 $0x0  }
0x14: {  	s2 =	sld [smem:$0x3F9B];
	s0 =	simm.s32 @p1 $0x1  }
0x15: {  	[smem:$0x3FB8] =	sst s0;
	s0 =	simm.s32 @!p2 $0x0  }
0x16: {  	s3 =	sld [smem:$0x3FDB];
	s0 =	simm.s32 @p2 $0x1  }
0x17: {  	s4 =	simm.s32 $0x1BF5;
	[smem:$0x3FBA] =	sst s0  }
0x18: {  	s0 =	sld [smem:$0x3F9D];
	_ =	swait.ge [sflag:s4], $0x0  }
0x19: {  	s7 =	sld [smem:$0x3F9E]  }
0x1a: {  	s8 =	sadd.s32 $0xFFFFE003, lr  }
0x1b: {  	s9 =	sadd.s32 $0xFFFFFEF7, lr;
	s5 =	simm.s32 $0xFFFFFFFF;
	p2 =	slt.u32 s8, $0xFFFFF086  }
0x1c: {  	p1 =	slt.u32 s9, $0xF7A;
	s5 =	simm.s32 @!p2 $0x0  }
0x1d: {  	s5 =	simm.s32 @p1 $0x1;
	p0 =	seq.s32 s7, s2  }
0x1e: {  	s7 =	smul.u32 @!p0 $0xF7A, s2;
	p2 =	seq.s32 @!p0 s5, $0x0  }
0x1f: {  	s9 =	smul.u32 $0xF7A, s1;
	s8 =	simm.s32 @!p0 $0x1BF5;
	p2 =	por !p2, p0  }
0x20: {  	[sflag:s8] =	ssyncset.s32 @!p0 $0xFFFFF086;
	s6 =	sadd.s32 @!p0 s3, s7;
	s7 =	simm.s32 @!p0 $0x108  }
0x21: {  	s3 =	sadd.s32 s3, s9;
	s6 =	sadd.s32 @!p0 $0x88, s6;
	s7 =	simm.s32 @p2 $0x1082  }
0x22: {  	[simem:s7], [sflag:s8] =	dma.local @!p0 [hbm:s6], $0xF7A  }
0x23: {  	s9 =	sor.u32 $0xD0000000, s2;
	s6 =	simm.s32 $0x108;
	_ =	swait.ge @!p0 [sflag:s8], $0x0  }
0x24: {  	s3 =	sadd.s32 $0x88, s3;
	s6 =	simm.s32 @!p1 $0x1082;
	[sflag:s4] =	ssyncset.s32 $0xFFFFF086  }
0x25: {  	[simem:s6], [sflag:s4] =	dma.local [hbm:s3], $0xF7A  }
0x26: {  	[smem:$0x3F9E] =	sst s1;
	(tag) =	ssettag s2;
	_ =	strace s9  }
0x27: {  	s1 =	sld [smem:$0x3FAE]  }
0x28: {  	s2 =	sld [smem:$0x3FAF]  }
0x29: {  	s4 =	sld [smem:$0x3FB1]  }
0x2a: {  	p0 =	seq.s32 s5, $0x0;
	s5 =	sld [smem:$0x3FB2]  }
0x2b: {  	s6 =	sld [smem:$0x3FB3]  }
0x2c: {  	s7 =	sld [smem:$0x3FB4]  }
0x2d: {  	s3 =	simm.s32 $0x108;
	s8 =	sld [smem:$0x3FB5]  }
0x2e: {  	s3 =	simm.s32 @!p0 $0x1082;
	s9 =	sld [smem:$0x3FB6]  }
0x2f: {  	lr =	sadd.s32 s0, s3;
	s0 =	sld [smem:$0x3FAD]  }
0x30: {  	s3 =	sld [smem:$0x3FB0]  }
0x31: {  	[smem:$0x3FB9] =	sst s10  }
0x32: {  	s10 =	sld [smem:$0x3FB7];
	_ =	sdelay $0x3  }
0x33: {  	p0 =	seq.s32 s10, $0x1;
	s10 =	sld [smem:$0x3FB9];
	_ =	sdelay $0x3  }
0x34: {  	[smem:$0x3FB9] =	sst s10  }
0x35: {  	s10 =	sld [smem:$0x3FB8];
	_ =	sdelay $0x3  }
0x36: {  	p1 =	seq.s32 s10, $0x1;
	s10 =	sld [smem:$0x3FB9];
	_ =	sdelay $0x3  }
0x37: {  	[smem:$0x3FB9] =	sst s10  }
0x38: {  	s10 =	sld [smem:$0x3FBA]  }
0x39: {  	_ = 	snop;
	(pc) =	sbr.ind lr, $3  }
0x3a: {  	_ = 	snop  }
0x3b: {  	_ = 	snop  }
0x3c: {  	p2 =	seq.s32 s10, $0x1;
	s10 =	sld [smem:$0x3FB9]  }
0x3d: {  	_ =	shalt  }
0x3e: {  	_ =	shalt  }
0x3f: {  	_ =	shalt  }
0x40: {  	_ =	shalt  }
0x41: {  	_ =	shalt  }
0x42: {  	_ =	shalt  }
0x43: {  	_ =	shalt  }
0x44: {  	_ =	shalt  }
0x45: {  	_ =	shalt  }
0x46: {  	_ =	shalt  }
0x47: {  	_ =	shalt  }
0x48: {  	_ =	shalt  }
0x49: {  	_ =	shalt  }
0x4a: {  	_ =	shalt  }
0x4b: {  	_ =	shalt  }
0x4c: {  	_ =	shalt  }
0x4d: {  	_ =	shalt  }
0x4e: {  	_ =	shalt  }
0x4f: {  	_ =	shalt  }
0x50: {  	_ =	shalt  }
0x51: {  	_ =	shalt  }
0x52: {  	_ =	shalt  }
0x53: {  	_ =	shalt  }
0x54: {  	_ =	shalt  }
0x55: {  	_ =	shalt  }
0x56: {  	_ =	shalt  }
0x57: {  	_ =	shalt  }
0x58: {  	_ =	shalt  }
0x59: {  	_ =	shalt  }
0x5a: {  	_ =	shalt  }
0x5b: {  	_ =	shalt  }
0x5c: {  	_ =	shalt  }
0x5d: {  	_ =	shalt  }
0x5e: {  	_ =	shalt  }
0x5f: {  	_ =	shalt  }
0x60: {  	_ =	shalt  }
0x61: {  	_ =	shalt  }
0x62: {  	_ =	shalt  }
0x63: {  	_ =	shalt  }
0x64: {  	_ =	shalt  }
0x65: {  	_ =	shalt  }
0x66: {  	_ =	shalt  }
0x67: {  	_ =	shalt  }
0x68: {  	_ =	shalt  }
0x69: {  	_ =	shalt  }
0x6a: {  	_ =	shalt  }
0x6b: {  	_ =	shalt  }
0x6c: {  	_ =	shalt  }
0x6d: {  	_ =	shalt  }
0x6e: {  	_ =	shalt  }
0x6f: {  	_ =	shalt  }
0x70: {  	_ =	shalt  }
0x71: {  	_ =	shalt  }
0x72: {  	_ =	shalt  }
0x73: {  	_ =	shalt  }
0x74: {  	_ =	shalt  }
0x75: {  	_ =	shalt  }
0x76: {  	_ =	shalt  }
0x77: {  	_ =	shalt  }
0x78: {  	_ =	shalt  }
0x79: {  	_ =	shalt  }
0x7a: {  	_ =	shalt  }
0x7b: {  	_ =	shalt  }
0x7c: {  	_ =	shalt  }
0x7d: {  	_ =	shalt  }
0x7e: {  	_ =	shalt  }
0x7f: {  	_ =	shalt  }
0x80: {  	_ =	shalt  }
0x81: {  	_ =	shalt  }
0x82: {  	_ =	shalt  }
0x83: {  	_ =	shalt  }
0x84: {  	_ =	shalt  }
0x85: {  	_ =	shalt  }
0x86: {  	_ =	shalt  }
0x87: {  	_ =	shalt  }
.Lfunc_end0:
.L_simem_size_0:
called_computation_lowered:
.L_overlay_start_0:
0x88: {  	s2 =	sld [smem:$0x3FD9]  }
0x89: {  	s3 =	sld [smem:$0x3FFE];
	_ =	sdelay $0x1  }
0x8a: {  	s1 =	srdreg.scid  }
0x8b: {  	s0 =	sand.u32 $0x1, s1  }
0x8c: {  	s18 =	sshll.u32 s0, $0xA;
	s2 =	sadd.s32 s3, s2  }
0x8d: {  	s2 =	sadd.s32 s2, s18  }
0x8e: {  	[smem:$0x3FC5] =	sst s2  }
0x8f: {  	_ = 	snop  }
0x90: {  	s2 =	sld [smem:$0x3FC9]  }
0x91: {  	s19 =	sld [smem:$0x3FC8]  }
0x92: {  	s4 =	sld [smem:$0x3FC7]  }
0x93: {  	s5 =	sld [smem:$0x3FD0];
	(tm) =	ssettm $0x1  }
0x94: {  	s6 =	sld [smem:$0x3FFB];
	_ =	sdelay $0x3  }
0x95: {  	_ =	strace s6  }
0x96: {  	s6 =	sld [smem:$0x3FFC];
	_ =	sdelay $0x3  }
0x97: {  	_ =	strace s6  }
0x98: {  	s6 =	sld [smem:$0x3FFD];
	_ =	sdelay $0x3  }
0x99: {  	_ =	strace s6  }
0x9a: {  	_ =	strace $0x8FFFFFFF  }
0x9b: {  	s20 =	sld [smem:$0x3FDB];
	_ =	sdelay $0x1  }
0x9c: {  	s7 =	simm.s32 $_scs_section_size  }
0x9d: {  	s8 =	simm.s32 $_size__tile_overlayer_lowered;
	s9 =	simm.s32 $_tile_overlayer_lowered  }
0x9e: {  	s23 =	simm.s32 $0x1BFF;
	s22 =	sshll.u32 s9, $0x1;
	s6 =	sadd.s32 s7, s20  }
0x9f: {  	s10 =	simm.s32 $0x0;
	s21 =	sshll.u32 s8, $0x1;
	s8 =	sadd.s32 s22, s6  }
0xa0: {  	[timem:s10], [sflag:s23] =	dma.local [hbm:s8], s21  }
0xa1: {  	_ =	swait.ge [sflag:s23], s21  }
0xa2: {  	s7 =	ssub.s32 $0x0, s21;
	[sflag:s23] =	ssyncset.done $0x0  }
0xa3: {  	[sflag:s23] =	ssyncadd.s32 s7;
	_ =	sdelay $0x1  }
0xa4: {  	s24 =	simm.s32 $0x1B8B  }
0xa5: {  	_ =	swait.ge [sflag:s24], $0x1  }
0xa6: {  	[sflag:s24] =	ssyncset.done $0x0  }
0xa7: {  	s25 =	simm.s32 $0x1B8E;
	[sflag:s24] =	ssyncadd.s32 $0xFFFFFFFF  }
0xa8: {  	s26 =	simm.s32 $execute0_lowered;
	[smem:$0x3FD2] =	sst s25  }
0xa9: {  	s7 =	sshll.u32 s26, $0x1;
	_ =	strace $0x80000046;
	[dreg:$0x1] =	wrdreg $0xFFFFFFFF  }
0xaa: {  	s28 =	simm.s32 $_size_execute0_lowered;
	s6 =	sadd.s32 s6, s7;
	[dreg:$0x0] =	wrdreg $0x0  }
0xab: {  	s7 =	sshll.u32 s28, $0x1;
	[dreg:$0x2] =	wrdreg s6  }
0xac: {  	[dreg:$0x3] =	wrdreg s7  }
0xad: {  	[dreg:$0x4] =	wrdreg $0xC0  }
0xae: {  	_ =	task [dreg:s10], $0x5FFFF  }
0xaf: {  	[dreg:$0x1] =	wrdreg $0xFFFFFFFF  }
0xb0: {  	[dreg:$0x0] =	wrdreg $0x60  }
0xb1: {  	[dreg:$0x2] =	wrdreg s2  }
0xb2: {  	[dreg:$0x3] =	wrdreg s19  }
0xb3: {  	[dreg:$0x4] =	wrdreg s4  }
0xb4: {  	[dreg:$0x5] =	wrdreg s5  }
0xb5: {  	[dreg:$0x6] =	wrdreg $0x9  }
0xb6: {  	_ =	task.clear_ibuf [dreg:s10], $0x7FFFF;
	_ =	strace $0x90000046  }
0xb7: {  	s29 =	simm.s32 $0x9;
	_ =	strace $0x80000048  }
0xb8: {  	_ =	swait.ge [sflag:s29], $0x1  }
0xb9: {  	[sflag:s29] =	ssyncadd.s32 $0xFFFFFFFF  }
0xba: {  	_ =	strace $0x90000048  }
0xbb: {  	_ =	sfence  }
0xbc: {  	s30 =	sld [smem:$0x0];
	_ =	sdelay $0x2  }
0xbd: {  	s31 =	sshll.u32 s1, $0xD;
	s1 =	sshrl.u32 s1, $0x2  }
0xbe: {  	s3 =	sand.u32 $0x4000, s31;
	s1 =	sadd.s32 s1, s30  }
0xbf: {  	s0 =	sor.u32 s3, s0;
	s1 =	sshll.u32 s1, $0x11  }
0xc0: {  	s0 =	sor.u32 s1, s0  }
0xc1: {  	s0 =	sadd.s32 $0x8F2B, s0  }
0xc2: {  	[sflag:s0] =	ssyncadd.remote.s32 $0x1  }
0xc3: {  	_ =	sfence.sel $0xFFFF  }
0xc4: {  	[dreg:$0x0] =	wrdreg $0xFFFFFFFF;
	(pc) =	sbr.abs _section_cstart, $3  }
0xc5: {  	[dreg:$0x1] =	wrdreg $0xFFFFFFFF  }
0xc6: {  	_ =	task.clear_ibuf [dreg:s10], $0x2FFFF;
	_ =	strace $0x9FFFFFFF  }
0xc7: {  	(tm) =	ssettm $0x7FFFFFFF  }
tec
execute0_lowered:
.L_overlay_start_1:
0x0: {  	(tag) =	ssettag $0x1  }
0x1: {  	s1 =	rddreg [dreg:$0x0]  }
0x2: {  	s6 =	rddreg [dreg:$0x1]  }
0x3: {  	s7 =	rddreg [dreg:$0x2]  }
0x4: {  	s3 =	rddreg [dreg:$0x3]  }
0x5: {  	s0 =	rddreg [dreg:$0x4];
	s5 =	srdreg.scid  }
0x6: {  	s4 =	simm.s32 $0x0;
	s2 =	stileid.u32;
	s11 =	simm.s32 $0x80  }
0x7: {  	s12 =	simm.s32 $0x400;
	s13 =	simm.s32 $0x10000;
	s5 =	sand.u32 $0x1, s5  }
0x8: {  	s9 =	sshll.u32 s2, $0x10;
	s8 =	ssub.s32 $0x2, s5;
	s5 =	sshll.u32 s5, $0xF  }
0x9: {  	s14 =	simm.s32 $0x0;
	[smem:$0x7FF] =	sst s4;
	s5 =	sor.u32 s5, s9  }
0xa: {  	_ =	strace $0x80000047;
	s10 =	sshrl.u32 s8, $0x1;
	s9 =	sshrl.u32 s5, $0x3  }
0xb: {  	s8 =	ssub.s32 s8, s10;
	s10 =	simm.s32 $0x8000;
	s6 =	sadd.s32 s6, s9  }
0xc: {  	s7 =	sadd.s32 s7, s9;
	s8 =	smax.u32 s8, $0x1;
	s9 =	simm.s32 $0x1  }
.LBB2_1:
0xd: {  	[tilespmem:s4], [sflag:$0x1] =	stream.linear.gather [hbm4b:s6+s4], $0x8000, $0x38;
	[tilespmem:$0x18000] =	vst v63  }
0xe: {  	_ =	swait.ge [sflag:s9], $0x8000  }
0xf: {  	[sflag:s9] =	ssyncset.done $0x0  }
0x10: {  	[sflag:s9] =	ssyncadd.s32 $0xFFFF8000  }
0x11: {  	[tilespmem:s10], [sflag:$0x1] =	stream.linear.gather [hbm4b:s7+s4], $0x8000, $0x38;
	[tilespmem:$0x18000] =	vst v63  }
0x12: {  	_ =	swait.ge [sflag:s9], $0x8000  }
0x13: {  	[sflag:s9] =	ssyncset.done $0x0  }
0x14: {  	s15 =	simm.s32 $0x0;
	[sflag:s9] =	ssyncadd.s32 $0xFFFF8000  }
0x15: {  	s16 =	simm.s32 $0x40;
	v0 =	vld [tilespmem:s15+$0x8000]  }
.LBB2_2:
0x16: {  	p0 =	sne.s32 s16, $0x1FFC0;
	v1 =	vld [tilespmem:s15+$0x0];
	_ =	sdelay $0x2  }
.Ltmp0:
0x17: {  	(pc) =	sbr.rel @p0 .LBB2_2-.Ltmp0, $4  }
0x18: {  	_ = 	snop  }
0x19: {  	v1 =	vmul.f32 v0, v1  }
0x1a: {  	s17 =	sshra.s32 s16, $0x2  }
0x1b: {  	s16 =	sadd.s32 $0x40, s16;
	v0 =	vld [tilespmem:s17+$0x8000];
	[tilespmem:s15+$0x0] =	vst v1;
	s15 =	smov.u32 s17  }
0x1c: {  	v1 =	vld [tilespmem:s15+$0x0];
	_ =	sdelay $0x4  }
0x1d: {  	v0 =	vmul.f32 v0, v1;
	_ =	sdelay $0x1  }
0x1e: {  	[tilespmem:s15+$0x0] =	vst v0;
	s15 =	simm.s32 $0x0  }
.LBB2_4:
0x1f: {  	s16 =	sshll.u32 s15, $0x11;
	s17 =	sshll.u32 s15, $0x4  }
0x20: {  	s16 =	sand.u32 $0x300000, s16;
	s17 =	sand.u32 $0x70, s17  }
0x21: {  	s16 =	sor.u32 s16, s17  }
0x22: {  	s16 =	sor.u32 s5, s16  }
0x23: {  	s31 =	sadd.s32 s1, s16  }
0x24: {  	[tilespmem:s13], [sflag:$0x1] =	stream.strided.gather [hbm4b:s31+s11], $0x8000, s12, s11, $0x38;
	[tilespmem:$0x18000] =	vst v63  }
0x25: {  	_ =	swait.ge [sflag:s9], $0x8000  }
0x26: {  	[sflag:s9] =	ssyncset.done $0x0  }
0x27: {  	s17 =	simm.s32 $0x0;
	[sflag:s9] =	ssyncadd.s32 $0xFFFF8000  }
0x28: {  	s18 =	simm.s32 $0x40;
	v0 =	vld [tilespmem:s17+$0x0]  }
.LBB2_5:
0x29: {  	p0 =	sne.s32 s18, $0x1FFC0;
	v1 =	vld [tilespmem:s17+$0x10000];
	_ =	sdelay $0x2  }
.Ltmp1:
0x2a: {  	(pc) =	sbr.rel @p0 .LBB2_5-.Ltmp1, $4  }
0x2b: {  	_ = 	snop  }
0x2c: {  	v1 =	vadd.f32 v0, v1  }
0x2d: {  	s19 =	sshra.s32 s18, $0x2  }
0x2e: {  	s18 =	sadd.s32 $0x40, s18;
	v0 =	vld [tilespmem:s19+$0x0];
	[tilespmem:s17+$0x10000] =	vst v1;
	s17 =	smov.u32 s19  }
0x2f: {  	v1 =	vld [tilespmem:s17+$0x10000];
	_ =	sdelay $0x4  }
0x30: {  	s15 =	sadd.s32 $0x1, s15;
	v0 =	vadd.f32 v0, v1  }
0x31: {  	p0 =	sne.s32 s15, $0x20  }
.Ltmp2:
0x32: {  	s16 =	sadd.s32 s3, s16;
	[tilespmem:s17+$0x10000] =	vst v0;
	(pc) =	sbr.rel @p0 .LBB2_4-.Ltmp2, $4  }
0x33: {  	[hbm4b:s16+s11] =	stream.strided.scatter [tilespmem:s13], [sflag:$0x1], $0x8000, s12, s11, $0x38;
	[tilespmem:$0x18000] =	vst v63  }
0x34: {  	_ =	swait.ge [sflag:s9], $0x8000  }
0x35: {  	[sflag:s9] =	ssyncset.done $0x0  }
0x36: {  	[sflag:s9] =	ssyncadd.s32 $0xFFFF8000  }
0x37: {  	s14 =	sadd.s32 $0x1, s14  }
0x38: {  	p0 =	sne.s32 s14, s8  }
.Ltmp3:
0x39: {  	_ = 	snop;
	(pc) =	sbr.rel @p0 .LBB2_1-.Ltmp3, $1  }
0x3a: {  	_ =	sdelay $0x3  }
0x3b: {  	_ =	sfence.sel $0x180000  }
0x3c: {  	[bflag:$0x0] =	sbarrier.arrive $0xFFFF  }
0x3d: {  	p0 =	sne.s32 s2, $0x0;
	_ =	strace $0x90000047  }
0x3e: {  	s0 =	sadd.s32 @!p0 $0x100000, s0;
	[bflag:$0x2] =	sbarrier.arrive $0xFFFF  }
0x3f: {  	[sflag:s0] =	ssyncadd.tile.s32 @!p0 $0x1;
	_ =	shalt  }
.Lfunc_end2:
_tile_overlayer_lowered:
.L_overlay_start_2:
0x40: {  	(tag) =	ssettag $0x2  }
0x41: {  	s0 =	rddreg [dreg:$0x0];
	s2 =	stileid.u32  }
0x42: {  	s1 =	rddreg [dreg:$0x1];
	p0 =	sne.s32 s2, $0x0  }
0x43: {  	s3 =	rddreg [dreg:$0x2];
	[bflag:$0x3] =	sbarrier.arrive $0xFFFF;
	s2 =	simm.s32 @!p0 $0x1C01  }
0x44: {  	[timem:s3], [sflag:s2] =	dma.local @!p0 [hbm:s0], s1  }
0x45: {  	s0 =	simm.s32 @!p0 $0x1  }
0x46: {  	_ =	swait.ge @!p0 [sflag:s0], s1  }
0x47: {  	s1 =	ssub.s32 @!p0 $0x0, s1;
	[sflag:s0] =	ssyncset.done @!p0 $0x0  }
0x48: {  	[sflag:s0] =	ssyncadd.s32 @!p0 s1  }
0x49: {  	[bflag:$0x3] =	sbarrier.arrive $0xFFFF  }
0x4a: {  	_ =	shalt  }

</sc_bundles>
